<compile_context>
chip_gen: v7x
topology: tpu7x:2x2x1
jax: 0.10.2.dev20260603
libtpu: 0.0.44.dev20260713+nightly
codegen_flags: <defaults>
</compile_context>

<pallas_src>
import functools

import jax
import jax.numpy as jnp
from jax import lax
from jax.experimental import pallas as pl
from jax.experimental.pallas import tpu as pltpu
from jax.experimental.pallas import tpu_sc as plsc

_B = 8192
_XD = 2048
_HD = 1024
_ZD = 64
_K = 1024
_D = 64
_BETA = 0.25
_TB = 1024
_GRID = _B // _TB

_NW = 32
_BPW = _B // _NW
_CH = 32
_NCH = _BPW // _CH


def _encode_vq_body(x_ref, w1_ref, b1_ref, w2_ref, b2_ref, wp_ref, bp_ref,
                    cb_ref, idx_out_ref, vq_ref, pp_ref,
                    counts_ref, sse_ref):
    i = pl.program_id(0)

    h = jnp.maximum(
        jnp.dot(x_ref[...], w1_ref[...], preferred_element_type=jnp.float32)
        + b1_ref[...], 0.0)
    z = jnp.dot(h, w2_ref[...], preferred_element_type=jnp.float32) + b2_ref[...]
    z_e = jnp.dot(z, wp_ref[...], preferred_element_type=jnp.float32) + bp_ref[...]

    cb = cb_ref[...]
    ones_row = jnp.ones((1, _D), dtype=jnp.float32)
    cb2 = jax.lax.dot_general(ones_row, cb * cb, (((1,), (1,)), ((), ())),
                              preferred_element_type=jnp.float32)
    t = jax.lax.dot_general(z_e, cb, (((1,), (1,)), ((), ())),
                            preferred_element_type=jnp.float32)
    z2 = jnp.sum(z_e * z_e, axis=1, keepdims=True)
    dist = (z2 + cb2) - 2.0 * t
    dmin = jnp.min(dist, axis=1, keepdims=True)
    kiota = jax.lax.broadcasted_iota(jnp.int32, (_TB, _K), 1)
    idx = jnp.min(jnp.where(dist == dmin, kiota, _K), axis=1, keepdims=True)
    one_hot = (kiota == idx).astype(jnp.float32)
    q = jnp.dot(one_hot, cb, preferred_element_type=jnp.float32)

    diff = q - z_e
    tile_sse = jnp.sum(diff * diff)
    tile_counts = jnp.sum(one_hot, axis=0, keepdims=True)

    @pl.when(i == 0)
    def _init():
        sse_ref[0] = 0.0
        counts_ref[...] = jnp.zeros_like(counts_ref)

    sse_ref[0] += tile_sse
    counts_ref[...] += tile_counts
    idx_out_ref[...] = idx.reshape(1, 1, _TB)

    @pl.when(i == _GRID - 1)
    def _fin():
        e = sse_ref[0] / float(_B * _D)
        vq_ref[0, 0] = e + _BETA * e
        avg = counts_ref[...] * (1.0 / _B)
        pp_ref[0, 0] = jnp.exp(-jnp.sum(avg * jnp.log(avg + 1e-10)))


def _decode_table_body(cb_ref, wd1_ref, bd1_ref, wd2_ref, bd2_ref, out_ref):
    hd = jnp.maximum(
        jnp.dot(cb_ref[...].astype(jnp.bfloat16), wd1_ref[...].astype(jnp.bfloat16),
                preferred_element_type=jnp.float32) + bd1_ref[...], 0.0)
    out_ref[...] = (
        jnp.dot(hd.astype(jnp.bfloat16), wd2_ref[...].astype(jnp.bfloat16),
                preferred_element_type=jnp.float32) + bd2_ref[...])


def _sc_gather_body(table_hbm, idx_hbm, out_hbm, idx_v, rows_v, sem):
    wid = lax.axis_index("s") * 2 + lax.axis_index("c")
    base = wid * _BPW

    def chunk(c, carry):
        off = base + c * _CH
        pltpu.sync_copy(idx_hbm.at[pl.ds(off, _CH)], idx_v)
        pltpu.async_copy(table_hbm.at[idx_v], rows_v, sem).wait()
        pltpu.sync_copy(rows_v, out_hbm.at[pl.ds(off, _CH)])
        return carry

    lax.fori_loop(0, _NCH, chunk, 0)


def kernel(x, W_enc1, b_enc1, W_enc2, b_enc2, W_pre, b_pre, codebook,
           W_dec1, b_dec1, W_dec2, b_dec2):
    full = lambda shape: pl.BlockSpec(shape, lambda i: (0,) * len(shape))

    idx3, vq, pp = pl.pallas_call(
        _encode_vq_body,
        grid=(_GRID,),
        in_specs=[
            pl.BlockSpec((_TB, _XD), lambda i: (i, 0)),
            full((_XD, _HD)), full((1, _HD)),
            full((_HD, _ZD)), full((1, _ZD)),
            full((_ZD, _D)), full((1, _D)),
            full((_K, _D)),
        ],
        out_specs=(
            pl.BlockSpec((1, 1, _TB), lambda i: (i, 0, 0)),
            pl.BlockSpec(memory_space=pltpu.SMEM),
            pl.BlockSpec(memory_space=pltpu.SMEM),
        ),
        out_shape=(
            jax.ShapeDtypeStruct((_GRID, 1, _TB), jnp.int32),
            jax.ShapeDtypeStruct((1, 1), jnp.float32),
            jax.ShapeDtypeStruct((1, 1), jnp.float32),
        ),
        scratch_shapes=[
            pltpu.VMEM((1, _K), jnp.float32),
            pltpu.SMEM((1,), jnp.float32),
        ],
        compiler_params=pltpu.CompilerParams(
            dimension_semantics=("arbitrary",),
        ),
    )(
        x,
        W_enc1, b_enc1.reshape(1, _HD),
        W_enc2, b_enc2.reshape(1, _ZD),
        W_pre, b_pre.reshape(1, _D),
        codebook,
    )

    full0 = lambda shape: pl.BlockSpec(shape, lambda: (0,) * len(shape))
    decoded = pl.pallas_call(
        _decode_table_body,
        in_specs=[
            full0((_K, _D)),
            full0((_D, _HD)), full0((1, _HD)),
            full0((_HD, _XD)), full0((1, _XD)),
        ],
        out_specs=full0((_K, _XD)),
        out_shape=jax.ShapeDtypeStruct((_K, _XD), jnp.float32),
    )(codebook, W_dec1, b_dec1.reshape(1, _HD), W_dec2, b_dec2.reshape(1, _XD))

    idx_flat = idx3.reshape(_B)

    sc_gather = functools.partial(
        pl.kernel,
        mesh=plsc.VectorSubcoreMesh(core_axis_name="c", subcore_axis_name="s"),
        out_type=jax.ShapeDtypeStruct((_B, _XD), jnp.float32),
        scratch_types=[
            pltpu.VMEM((_CH,), jnp.int32),
            pltpu.VMEM((_CH, _XD), jnp.float32),
            pltpu.SemaphoreType.DMA,
        ],
    )(_sc_gather_body)

    x_recon = sc_gather(decoded, idx_flat)
    return x_recon, vq[0, 0], pp[0, 0]

# --- scband reference (transcript-rebuilt; emitter-appended) ---
"""Pipeline reference for scband-basic-vqvae-80367428043243 (READ-ONLY COPY).

The authoritative reference and input builder live on the scoring server;
editing this copy changes nothing except your own understanding.
"""

import jax, jax.numpy as jnp
import numpy as np

B = 8192
X_DIM = 2048
Z_DIM = 64
H_DIM = 1024
K = 1024
D = 64
BETA = 0.25


def setup_inputs(seed: int = 0) -> dict:
    key = jax.random.key(seed)
    ks = jax.random.split(key, 12)
    def init(k, shape, fan_in):
        return (jax.random.normal(k, shape, dtype=jnp.float32) / np.sqrt(fan_in)).astype(jnp.float32)
    inp = {}
    inp["x"] = jax.random.normal(ks[0], (B, X_DIM), dtype=jnp.float32)
    inp["W_enc1"] = init(ks[1], (X_DIM, H_DIM), X_DIM)
    inp["b_enc1"] = jnp.zeros((H_DIM,), dtype=jnp.float32)
    inp["W_enc2"] = init(ks[2], (H_DIM, Z_DIM), H_DIM)
    inp["b_enc2"] = jnp.zeros((Z_DIM,), dtype=jnp.float32)
    inp["W_pre"] = init(ks[3], (Z_DIM, D), Z_DIM)
    inp["b_pre"] = jnp.zeros((D,), dtype=jnp.float32)
    inp["codebook"] = (jax.random.uniform(ks[4], (K, D), dtype=jnp.float32, minval=-1.0 / K, maxval=1.0 / K)).astype(jnp.float32)
    inp["W_dec1"] = init(ks[5], (D, H_DIM), D)
    inp["b_dec1"] = jnp.zeros((H_DIM,), dtype=jnp.float32)
    inp["W_dec2"] = init(ks[6], (H_DIM, X_DIM), H_DIM)
    inp["b_dec2"] = jnp.zeros((X_DIM,), dtype=jnp.float32)
    return inp


def reference(x, W_enc1, b_enc1, W_enc2, b_enc2, W_pre, b_pre, codebook, W_dec1, b_dec1, W_dec2, b_dec2):
    # encoder (MLP)
    h = jax.nn.relu(x @ W_enc1 + b_enc1)
    z = h @ W_enc2 + b_enc2
    # pre-vq linear
    z_e = z @ W_pre + b_pre  # [B, D]
    # vector quantizer
    flat = z_e
    distances = (jnp.sum(flat ** 2, axis=1, keepdims=True)
                 + jnp.sum(codebook ** 2, axis=1)
                 - 2.0 * flat @ codebook.T)  # [B, K]
    idx = jnp.argmin(distances, axis=1)  # [B]
    quantized = jnp.take(codebook, idx, axis=0)  # [B, D]
    e_latent_loss = jnp.mean((jax.lax.stop_gradient(quantized) - z_e) ** 2)
    q_latent_loss = jnp.mean((quantized - jax.lax.stop_gradient(z_e)) ** 2)
    vq_loss = q_latent_loss + BETA * e_latent_loss
    # straight-through estimator
    quantized_st = z_e + jax.lax.stop_gradient(quantized - z_e)
    encodings = jax.nn.one_hot(idx, K, dtype=jnp.float32)
    avg_probs = jnp.mean(encodings, axis=0)
    perplexity = jnp.exp(-jnp.sum(avg_probs * jnp.log(avg_probs + 1e-10)))
    # decoder (MLP)
    hd = jax.nn.relu(quantized_st @ W_dec1 + b_dec1)
    x_recon = hd @ W_dec2 + b_dec2
    return (x_recon, vq_loss, perplexity)

if __name__ == "__main__":
    import jax
    _d = setup_inputs()
    print(jax.jit(kernel)(*tuple(_d.values())))

</pallas_src>

<mosaic_0001>
#map = affine_map<(d0, d1) -> (0, 0)>
#map1 = affine_map<(d0, d1) -> (0)>
module attributes {stable_mosaic.version = 14 : i64} {
  func.func @_sc_gather_body(%arg0: i32, %arg1: i32, %arg2: memref<1024x2048xf32, #tpu.memory_space<hbm>>, %arg3: memref<8192xi32, #tpu.memory_space<hbm>>, %arg4: memref<8192x2048xf32, #tpu.memory_space<hbm>>, %arg5: memref<32xi32, #tpu.memory_space<vmem>>, %arg6: memref<32x2048xf32, #tpu.memory_space<vmem>>, %arg7: memref<!tpu.dma_semaphore, #tpu.memory_space<semaphore_mem>>) attributes {dimension_semantics = [#tpu.dimension_semantics<core_parallel>, #tpu.dimension_semantics<subcore_parallel>], iteration_bounds = array<i64: 2, 16>, scalar_prefetch = 0 : i64, scratch_operands = 3 : i64, tpu.core_type = #tpu.core_type<sc_vector_subcore>, window_params = [{transform_indices = #map}, {transform_indices = #map1}, {transform_indices = #map}]} {
    %mul3A = arith.constant 2 : i32
    %mul3A_0 = arith.muli %arg1, %mul3A : i32
    %add3A = arith.addi %mul3A_0, %arg0 : i32
    %mul3A_1 = arith.constant 256 : i32
    %mul3A_2 = arith.muli %add3A, %mul3A_1 : i32
    %scan3A = arith.constant 0 : i32
    %scan3A_3 = arith.constant 0 : i32
    %scan3A_4 = arith.constant 8 : i32
    %scan3A_5 = arith.addi %scan3A_3, %scan3A_4 : i32
    %scan3A_6 = arith.constant 1 : i32
    scf.for %scan3A_8 = %scan3A_3 to %scan3A_5 step %scan3A_6  : i32 {
      %mul3A_9 = arith.constant 32 : i32
      %mul3A_10 = arith.muli %scan3A_8, %mul3A_9 : i32
      %add3A_11 = arith.addi %mul3A_2, %mul3A_10 : i32
      "tpu.region"() ({
        %run_scoped3A = tpu.sem_alloc : memref<!tpu.dma_semaphore, #tpu.memory_space<semaphore_mem>>
        %dma_start3A_16 = tpu.memref_slice %arg3[%add3A_11] : memref<8192xi32, #tpu.memory_space<hbm>> -> memref<32xi32, #tpu.memory_space<hbm>>
        %dma_start3A_17 = tpu.memref_slice %arg3[%add3A_11] : memref<8192xi32, #tpu.memory_space<hbm>> -> memref<32xi32, #tpu.memory_space<hbm>>
        tpu.enqueue_dma source(%dma_start3A_17 : memref<32xi32, #tpu.memory_space<hbm>>) target(%arg5 : memref<32xi32, #tpu.memory_space<vmem>>) target_semaphore(%run_scoped3A : memref<!tpu.dma_semaphore, #tpu.memory_space<semaphore_mem>>)
        %dma_wait3A_18 = tpu.memref_slice %arg3[%add3A_11] : memref<8192xi32, #tpu.memory_space<hbm>> -> memref<32xi32, #tpu.memory_space<hbm>>
        %dma_wait3A_19 = tpu.memref_slice %arg3[%add3A_11] : memref<8192xi32, #tpu.memory_space<hbm>> -> memref<32xi32, #tpu.memory_space<hbm>>
        tpu.wait_dma2 semaphore(%run_scoped3A : memref<!tpu.dma_semaphore, #tpu.memory_space<semaphore_mem>>) src(%dma_wait3A_19 : memref<32xi32, #tpu.memory_space<hbm>>) dst(%arg5 : memref<32xi32, #tpu.memory_space<vmem>>)
        tpu.yield
      }) : () -> ()
      %dma_start3A = arith.constant 0 : i32
      %dma_start3A_12 = arith.constant 0 : i32
      %dma_start3A_13 = tpu.memref_slice %arg2[%dma_start3A, %dma_start3A_12] : memref<1024x2048xf32, #tpu.memory_space<hbm>> -> memref<1024x2048xf32, #tpu.memory_space<hbm>>
      tpu.enqueue_indirect_dma source(%dma_start3A_13 : memref<1024x2048xf32, #tpu.memory_space<hbm>>) target(%arg6 : memref<32x2048xf32, #tpu.memory_space<vmem>>) offsets(%arg5 : memref<32xi32, #tpu.memory_space<vmem>>) semaphore(%arg7 : memref<!tpu.dma_semaphore, #tpu.memory_space<semaphore_mem>>)
      %dma_wait3A = arith.constant 0 : i32
      %dma_wait3A_14 = arith.constant 0 : i32
      %dma_wait3A_15 = tpu.memref_slice %arg2[%dma_wait3A, %dma_wait3A_14] : memref<1024x2048xf32, #tpu.memory_space<hbm>> -> memref<1024x2048xf32, #tpu.memory_space<hbm>>
      tpu.wait_indirect_dma semaphore(%arg7 : memref<!tpu.dma_semaphore, #tpu.memory_space<semaphore_mem>>) src(%dma_wait3A_15 : memref<1024x2048xf32, #tpu.memory_space<hbm>>) dst(%arg6 : memref<32x2048xf32, #tpu.memory_space<vmem>>)
      "tpu.region"() ({
        %run_scoped3A = tpu.sem_alloc : memref<!tpu.dma_semaphore, #tpu.memory_space<semaphore_mem>>
        %dma_start3A_16 = arith.constant 0 : i32
        %dma_start3A_17 = tpu.memref_slice %arg4[%add3A_11, %dma_start3A_16] : memref<8192x2048xf32, #tpu.memory_space<hbm>> -> memref<32x2048xf32, #tpu.memory_space<hbm>>
        %dma_start3A_18 = arith.constant 0 : i32
        %dma_start3A_19 = tpu.memref_slice %arg4[%add3A_11, %dma_start3A_18] : memref<8192x2048xf32, #tpu.memory_space<hbm>> -> memref<32x2048xf32, #tpu.memory_space<hbm>>
        tpu.enqueue_dma source(%arg6 : memref<32x2048xf32, #tpu.memory_space<vmem>>) target(%dma_start3A_19 : memref<32x2048xf32, #tpu.memory_space<hbm>>) target_semaphore(%run_scoped3A : memref<!tpu.dma_semaphore, #tpu.memory_space<semaphore_mem>>)
        %dma_wait3A_20 = arith.constant 0 : i32
        %dma_wait3A_21 = tpu.memref_slice %arg4[%add3A_11, %dma_wait3A_20] : memref<8192x2048xf32, #tpu.memory_space<hbm>> -> memref<32x2048xf32, #tpu.memory_space<hbm>>
        %dma_wait3A_22 = arith.constant 0 : i32
        %dma_wait3A_23 = tpu.memref_slice %arg4[%add3A_11, %dma_wait3A_22] : memref<8192x2048xf32, #tpu.memory_space<hbm>> -> memref<32x2048xf32, #tpu.memory_space<hbm>>
        tpu.wait_dma2 semaphore(%run_scoped3A : memref<!tpu.dma_semaphore, #tpu.memory_space<semaphore_mem>>) src(%arg6 : memref<32x2048xf32, #tpu.memory_space<vmem>>) dst(%dma_wait3A_23 : memref<32x2048xf32, #tpu.memory_space<hbm>>)
        tpu.yield
      }) : () -> ()
    }
    %scan3A_7 = arith.constant 8 : i32
    return
  }
}

module attributes {stable_mosaic.version = 14 : i64} {
  func.func @_encode_vq_body(%arg0: i32, %arg1: memref<1024x2048xf32, #tpu.memory_space<vmem>>, %arg2: memref<2048x1024xf32, #tpu.memory_space<vmem>>, %arg3: memref<1x1024xf32, #tpu.memory_space<vmem>>, %arg4: memref<1024x64xf32, #tpu.memory_space<vmem>>, %arg5: memref<1x64xf32, #tpu.memory_space<vmem>>, %arg6: memref<64x64xf32, #tpu.memory_space<vmem>>, %arg7: memref<1x64xf32, #tpu.memory_space<vmem>>, %arg8: memref<1024x64xf32, #tpu.memory_space<vmem>>, %arg9: memref<1x1x1024xi32, #tpu.memory_space<vmem>>, %arg10: memref<1x1xf32, #tpu.memory_space<smem>>, %arg11: memref<1x1xf32, #tpu.memory_space<smem>>, %arg12: memref<1x1024xf32, #tpu.memory_space<vmem>>, %arg13: memref<1xf32, #tpu.memory_space<smem>>) attributes {dimension_semantics = [#tpu.dimension_semantics<arbitrary>], iteration_bounds = array<i64: 8>, scalar_prefetch = 0 : i64, scratch_operands = 2 : i64, tpu.core_type = #tpu.core_type<tc>, window_params = [{transform_indices = @transform_0, window_bounds = array<i64: 1024, 2048>}, {pipeline_mode = #tpu.pipeline_mode<synchronous>, transform_indices = @transform_1, window_bounds = array<i64: 2048, 1024>}, {pipeline_mode = #tpu.pipeline_mode<synchronous>, transform_indices = @transform_2, window_bounds = array<i64: 1, 1024>}, {pipeline_mode = #tpu.pipeline_mode<synchronous>, transform_indices = @transform_3, window_bounds = array<i64: 1024, 64>}, {pipeline_mode = #tpu.pipeline_mode<synchronous>, transform_indices = @transform_4, window_bounds = array<i64: 1, 64>}, {pipeline_mode = #tpu.pipeline_mode<synchronous>, transform_indices = @transform_5, window_bounds = array<i64: 64, 64>}, {pipeline_mode = #tpu.pipeline_mode<synchronous>, transform_indices = @transform_6, window_bounds = array<i64: 1, 64>}, {pipeline_mode = #tpu.pipeline_mode<synchronous>, transform_indices = @transform_7, window_bounds = array<i64: 1024, 64>}, {transform_indices = @transform_8, window_bounds = array<i64: 1, 1, 1024>}, {transform_indices = @transform_9, window_bounds = array<i64: 1, 1>}, {transform_indices = @transform_10, window_bounds = array<i64: 1, 1>}]} {
    %get3A = arith.constant 0 : index
    %get3A_0 = arith.constant 0 : index
    %get3A_1 = vector.load %arg1[%get3A, %get3A_0] : memref<1024x2048xf32, #tpu.memory_space<vmem>>, vector<1024x2048xf32>
    %get3A_2 = arith.constant 0 : index
    %get3A_3 = arith.constant 0 : index
    %get3A_4 = vector.load %arg2[%get3A_2, %get3A_3] : memref<2048x1024xf32, #tpu.memory_space<vmem>>, vector<2048x1024xf32>
    %dot_general3A = arith.constant dense<0.000000e+00> : vector<1024x1024xf32>
    %dot_general3A_5 = tpu.matmul %get3A_1, %get3A_4, %dot_general3A {dimension_numbers = #tpu.dot_dimension_numbers<[1], [0], [0], [1], [0, 0, 1, 1], [], []>, transpose_lhs_hint = false} : vector<1024x2048xf32>, vector<2048x1024xf32>, vector<1024x1024xf32> -> vector<1024x1024xf32>
    %get3A_6 = arith.constant 0 : index
    %get3A_7 = arith.constant 0 : index
    %get3A_8 = vector.load %arg3[%get3A_6, %get3A_7] : memref<1x1024xf32, #tpu.memory_space<vmem>>, vector<1x1024xf32>
    %add3A = vector.broadcast %get3A_8 : vector<1x1024xf32> to vector<1024x1024xf32>
    %add3A_9 = arith.addf %dot_general3A_5, %add3A : vector<1024x1024xf32>
    %max3A = arith.constant 0.000000e+00 : f32
    %max3A_10 = vector.broadcast %max3A : f32 to vector<1024x1024xf32>
    %max3A_11 = arith.maximumf %add3A_9, %max3A_10 : vector<1024x1024xf32>
    %get3A_12 = arith.constant 0 : index
    %get3A_13 = arith.constant 0 : index
    %get3A_14 = vector.load %arg4[%get3A_12, %get3A_13] : memref<1024x64xf32, #tpu.memory_space<vmem>>, vector<1024x64xf32>
    %dot_general3A_15 = arith.constant dense<0.000000e+00> : vector<1024x64xf32>
    %dot_general3A_16 = tpu.matmul %max3A_11, %get3A_14, %dot_general3A_15 {dimension_numbers = #tpu.dot_dimension_numbers<[1], [0], [0], [1], [0, 0, 1, 1], [], []>, transpose_lhs_hint = false} : vector<1024x1024xf32>, vector<1024x64xf32>, vector<1024x64xf32> -> vector<1024x64xf32>
    %get3A_17 = arith.constant 0 : index
    %get3A_18 = arith.constant 0 : index
    %get3A_19 = vector.load %arg5[%get3A_17, %get3A_18] : memref<1x64xf32, #tpu.memory_space<vmem>>, vector<1x64xf32>
    %add3A_20 = vector.broadcast %get3A_19 : vector<1x64xf32> to vector<1024x64xf32>
    %add3A_21 = arith.addf %dot_general3A_16, %add3A_20 : vector<1024x64xf32>
    %get3A_22 = arith.constant 0 : index
    %get3A_23 = arith.constant 0 : index
    %get3A_24 = vector.load %arg6[%get3A_22, %get3A_23] : memref<64x64xf32, #tpu.memory_space<vmem>>, vector<64x64xf32>
    %dot_general3A_25 = arith.constant dense<0.000000e+00> : vector<1024x64xf32>
    %dot_general3A_26 = tpu.matmul %add3A_21, %get3A_24, %dot_general3A_25 {dimension_numbers = #tpu.dot_dimension_numbers<[1], [0], [0], [1], [0, 0, 1, 1], [], []>, transpose_lhs_hint = false} : vector<1024x64xf32>, vector<64x64xf32>, vector<1024x64xf32> -> vector<1024x64xf32>
    %get3A_27 = arith.constant 0 : index
    %get3A_28 = arith.constant 0 : index
    %get3A_29 = vector.load %arg7[%get3A_27, %get3A_28] : memref<1x64xf32, #tpu.memory_space<vmem>>, vector<1x64xf32>
    %add3A_30 = vector.broadcast %get3A_29 : vector<1x64xf32> to vector<1024x64xf32>
    %add3A_31 = arith.addf %dot_general3A_26, %add3A_30 : vector<1024x64xf32>
    %get3A_32 = arith.constant 0 : index
    %get3A_33 = arith.constant 0 : index
    %get3A_34 = vector.load %arg8[%get3A_32, %get3A_33] : memref<1024x64xf32, #tpu.memory_space<vmem>>, vector<1024x64xf32>
    %broadcast_in_dim3A = arith.constant 1.000000e+00 : f32
    %broadcast_in_dim3A_35 = vector.broadcast %broadcast_in_dim3A : f32 to vector<1x64xf32>
    %mul3A = arith.mulf %get3A_34, %get3A_34 : vector<1024x64xf32>
    %dot_general3A_36 = arith.constant dense<0.000000e+00> : vector<1x1024xf32>
    %dot_general3A_37 = tpu.matmul %broadcast_in_dim3A_35, %mul3A, %dot_general3A_36 {dimension_numbers = #tpu.dot_dimension_numbers<[1], [1], [0], [0], [0, 0, 1, 0], [], []>, transpose_lhs_hint = false} : vector<1x64xf32>, vector<1024x64xf32>, vector<1x1024xf32> -> vector<1x1024xf32>
    %dot_general3A_38 = arith.constant dense<0.000000e+00> : vector<1024x1024xf32>
    %dot_general3A_39 = tpu.matmul %add3A_31, %get3A_34, %dot_general3A_38 {dimension_numbers = #tpu.dot_dimension_numbers<[1], [1], [0], [0], [0, 0, 1, 0], [], []>, transpose_lhs_hint = false} : vector<1024x64xf32>, vector<1024x64xf32>, vector<1024x1024xf32> -> vector<1024x1024xf32>
    %mul3A_40 = arith.mulf %add3A_31, %add3A_31 : vector<1024x64xf32>
    %reduce_sum3A = arith.constant dense<0.000000e+00> : vector<1024xf32>
    %reduce_sum3A_41 = vector.multi_reduction <add>, %mul3A_40, %reduce_sum3A [1] : vector<1024x64xf32> to vector<1024xf32>
    %broadcast_in_dim3A_42 = vector.shape_cast %reduce_sum3A_41 : vector<1024xf32> to vector<1024x1xf32>
    %add3A_43 = vector.broadcast %broadcast_in_dim3A_42 : vector<1024x1xf32> to vector<1024x1024xf32>
    %add3A_44 = vector.broadcast %dot_general3A_37 : vector<1x1024xf32> to vector<1024x1024xf32>
    %add3A_45 = arith.addf %add3A_43, %add3A_44 : vector<1024x1024xf32>
    %mul3A_46 = arith.constant 2.000000e+00 : f32
    %mul3A_47 = vector.broadcast %mul3A_46 : f32 to vector<1024x1024xf32>
    %mul3A_48 = arith.mulf %mul3A_47, %dot_general3A_39 : vector<1024x1024xf32>
    %sub3A = arith.subf %add3A_45, %mul3A_48 : vector<1024x1024xf32>
    %reduce_min3A = arith.constant dense<0x7F800000> : vector<1024xf32>
    %reduce_min3A_49 = vector.multi_reduction <minimumf>, %sub3A, %reduce_min3A [1] : vector<1024x1024xf32> to vector<1024xf32>
    %broadcast_in_dim3A_50 = vector.shape_cast %reduce_min3A_49 : vector<1024xf32> to vector<1024x1xf32>
    %iota3A = tpu.iota {dimensions = array<i32: 1>} : vector<1024x1024xi32>
    %eq3A = vector.broadcast %broadcast_in_dim3A_50 : vector<1024x1xf32> to vector<1024x1024xf32>
    %eq3A_51 = arith.cmpf oeq, %sub3A, %eq3A : vector<1024x1024xf32>
    %jit3A = arith.constant 1024 : i32
    %broadcast_in_dim3A_52 = vector.broadcast %jit3A : i32 to vector<1024x1024xi32>
    %select_n3A = arith.select %eq3A_51, %iota3A, %broadcast_in_dim3A_52 : vector<1024x1024xi1>, vector<1024x1024xi32>
    %reduce_min3A_53 = arith.constant dense<2147483647> : vector<1024xi32>
    %reduce_min3A_54 = vector.multi_reduction <minsi>, %select_n3A, %reduce_min3A_53 [1] : vector<1024x1024xi32> to vector<1024xi32>
    %broadcast_in_dim3A_55 = vector.shape_cast %reduce_min3A_54 : vector<1024xi32> to vector<1024x1xi32>
    %eq3A_56 = vector.broadcast %broadcast_in_dim3A_55 : vector<1024x1xi32> to vector<1024x1024xi32>
    %eq3A_57 = arith.cmpi eq, %iota3A, %eq3A_56 : vector<1024x1024xi32>
    %convert_element_type3A = arith.extui %eq3A_57 : vector<1024x1024xi1> to vector<1024x1024xi32>
    %convert_element_type3A_58 = arith.sitofp %convert_element_type3A : vector<1024x1024xi32> to vector<1024x1024xf32>
    %dot_general3A_59 = arith.constant dense<0.000000e+00> : vector<1024x64xf32>
    %dot_general3A_60 = tpu.matmul %convert_element_type3A_58, %get3A_34, %dot_general3A_59 {dimension_numbers = #tpu.dot_dimension_numbers<[1], [0], [0], [1], [0, 0, 1, 1], [], []>, transpose_lhs_hint = false} : vector<1024x1024xf32>, vector<1024x64xf32>, vector<1024x64xf32> -> vector<1024x64xf32>
    %sub3A_61 = arith.subf %dot_general3A_60, %add3A_31 : vector<1024x64xf32>
    %mul3A_62 = arith.mulf %sub3A_61, %sub3A_61 : vector<1024x64xf32>
    %reduce_sum3A_63 = vector.shape_cast %mul3A_62 : vector<1024x64xf32> to vector<1x1024x64xf32>
    %reduce_sum3A_64 = arith.constant dense<0.000000e+00> : vector<1xf32>
    %reduce_sum3A_65 = vector.multi_reduction <add>, %reduce_sum3A_63, %reduce_sum3A_64 [1, 2] : vector<1x1024x64xf32> to vector<1xf32>
    %reduce_sum3A_66 = vector.shape_cast %reduce_sum3A_65 : vector<1xf32> to vector<1x1x1xf32>
    %reduce_sum3A_67 = vector.extract %reduce_sum3A_66[0, 0, 0] : f32 from vector<1x1x1xf32>
    %reduce_sum3A_68 = arith.constant dense<0.000000e+00> : vector<1024xf32>
    %reduce_sum3A_69 = vector.multi_reduction <add>, %convert_element_type3A_58, %reduce_sum3A_68 [0] : vector<1024x1024xf32> to vector<1024xf32>
    %broadcast_in_dim3A_70 = vector.shape_cast %reduce_sum3A_69 : vector<1024xf32> to vector<1x1024xf32>
    %eq3A_71 = arith.constant 0 : i32
    %eq3A_72 = arith.cmpi eq, %arg0, %eq3A_71 : i32
    %convert_element_type3A_73 = arith.extui %eq3A_72 : i1 to i32
    %cond3A = arith.constant 0 : i32
    %cond3A_74 = arith.cmpi ne, %convert_element_type3A_73, %cond3A : i32
    scf.if %cond3A_74 {
      %swap3A_95 = arith.constant 0.000000e+00 : f32
      %swap3A_96 = arith.constant 0 : index
      %swap3A_97 = memref.load %arg13[%swap3A_96] : memref<1xf32, #tpu.memory_space<smem>>
      memref.store %swap3A_95, %arg13[%swap3A_96] : memref<1xf32, #tpu.memory_space<smem>>
      %broadcast_in_dim3A_98 = arith.constant 0.000000e+00 : f32
      %broadcast_in_dim3A_99 = vector.broadcast %broadcast_in_dim3A_98 : f32 to vector<1x1024xf32>
      %swap3A_100 = arith.constant 0 : index
      %swap3A_101 = arith.constant 0 : index
      %swap3A_102 = vector.load %arg12[%swap3A_100, %swap3A_101] : memref<1x1024xf32, #tpu.memory_space<vmem>>, vector<1x1024xf32>
      tpu.vector_store %arg12[%swap3A_100, %swap3A_101], %broadcast_in_dim3A_99 {strides = array<i32>} : memref<1x1024xf32, #tpu.memory_space<vmem>>, vector<1x1024xf32>,
    } else {
    }
    %get3A_75 = arith.constant 0 : index
    %get3A_76 = memref.load %arg13[%get3A_75] : memref<1xf32, #tpu.memory_space<smem>>
    %add3A_77 = arith.addf %get3A_76, %reduce_sum3A_67 : f32
    %swap3A = arith.constant 0 : index
    %swap3A_78 = memref.load %arg13[%swap3A] : memref<1xf32, #tpu.memory_space<smem>>
    memref.store %add3A_77, %arg13[%swap3A] : memref<1xf32, #tpu.memory_space<smem>>
    %get3A_79 = arith.constant 0 : index
    %get3A_80 = arith.constant 0 : index
    %get3A_81 = vector.load %arg12[%get3A_79, %get3A_80] : memref<1x1024xf32, #tpu.memory_space<vmem>>, vector<1x1024xf32>
    %add3A_82 = arith.addf %get3A_81, %broadcast_in_dim3A_70 : vector<1x1024xf32>
    %swap3A_83 = arith.constant 0 : index
    %swap3A_84 = arith.constant 0 : index
    %swap3A_85 = vector.load %arg12[%swap3A_83, %swap3A_84] : memref<1x1024xf32, #tpu.memory_space<vmem>>, vector<1x1024xf32>
    tpu.vector_store %arg12[%swap3A_83, %swap3A_84], %add3A_82 {strides = array<i32>} : memref<1x1024xf32, #tpu.memory_space<vmem>>, vector<1x1024xf32>,
    %reshape3A = vector.shape_cast %broadcast_in_dim3A_55 : vector<1024x1xi32> to vector<1x1x1024xi32>
    %swap3A_86 = arith.constant 0 : index
    %swap3A_87 = arith.constant 0 : index
    %swap3A_88 = arith.constant 0 : index
    %swap3A_89 = vector.load %arg9[%swap3A_86, %swap3A_87, %swap3A_88] : memref<1x1x1024xi32, #tpu.memory_space<vmem>>, vector<1x1x1024xi32>
    tpu.vector_store %arg9[%swap3A_86, %swap3A_87, %swap3A_88], %reshape3A {strides = array<i32>} : memref<1x1x1024xi32, #tpu.memory_space<vmem>>, vector<1x1x1024xi32>,
    %eq3A_90 = arith.constant 7 : i32
    %eq3A_91 = arith.cmpi eq, %arg0, %eq3A_90 : i32
    %convert_element_type3A_92 = arith.extui %eq3A_91 : i1 to i32
    %cond3A_93 = arith.constant 0 : i32
    %cond3A_94 = arith.cmpi ne, %convert_element_type3A_92, %cond3A_93 : i32
    scf.if %cond3A_94 {
      %get3A_95 = arith.constant 0 : index
      %get3A_96 = memref.load %arg13[%get3A_95] : memref<1xf32, #tpu.memory_space<smem>>
      %div3A = arith.constant 5.242880e+05 : f32
      %div3A_97 = arith.divf %get3A_96, %div3A : f32
      %mul3A_98 = arith.constant 2.500000e-01 : f32
      %mul3A_99 = arith.mulf %mul3A_98, %div3A_97 : f32
      %add3A_100 = arith.addf %div3A_97, %mul3A_99 : f32
      %swap3A_101 = arith.constant 0 : index
      %swap3A_102 = arith.constant 0 : index
      %swap3A_103 = memref.load %arg10[%swap3A_101, %swap3A_102] : memref<1x1xf32, #tpu.memory_space<smem>>
      memref.store %add3A_100, %arg10[%swap3A_101, %swap3A_102] : memref<1x1xf32, #tpu.memory_space<smem>>
      %get3A_104 = arith.constant 0 : index
      %get3A_105 = arith.constant 0 : index
      %get3A_106 = vector.load %arg12[%get3A_104, %get3A_105] : memref<1x1024xf32, #tpu.memory_space<vmem>>, vector<1x1024xf32>
      %mul3A_107 = arith.constant 1.22070313E-4 : f32
      %mul3A_108 = vector.broadcast %mul3A_107 : f32 to vector<1x1024xf32>
      %mul3A_109 = arith.mulf %get3A_106, %mul3A_108 : vector<1x1024xf32>
      %add3A_110 = arith.constant 1.000000e-10 : f32
      %add3A_111 = vector.broadcast %add3A_110 : f32 to vector<1x1024xf32>
      %add3A_112 = arith.addf %mul3A_109, %add3A_111 : vector<1x1024xf32>
      %log3A = math.log %add3A_112 : vector<1x1024xf32>
      %mul3A_113 = arith.mulf %mul3A_109, %log3A : vector<1x1024xf32>
      %reduce_sum3A_114 = vector.shape_cast %mul3A_113 : vector<1x1024xf32> to vector<1x1x1024xf32>
      %reduce_sum3A_115 = arith.constant dense<0.000000e+00> : vector<1xf32>
      %reduce_sum3A_116 = vector.multi_reduction <add>, %reduce_sum3A_114, %reduce_sum3A_115 [1, 2] : vector<1x1x1024xf32> to vector<1xf32>
      %reduce_sum3A_117 = vector.shape_cast %reduce_sum3A_116 : vector<1xf32> to vector<1x1x1xf32>
      %reduce_sum3A_118 = vector.extract %reduce_sum3A_117[0, 0, 0] : f32 from vector<1x1x1xf32>
      %neg3A = arith.constant 0.000000e+00 : f32
      %neg3A_119 = arith.subf %neg3A, %reduce_sum3A_118 : f32
      %exp3A = math.exp %neg3A_119 : f32
      %swap3A_120 = arith.constant 0 : index
      %swap3A_121 = arith.constant 0 : index
      %swap3A_122 = memref.load %arg11[%swap3A_120, %swap3A_121] : memref<1x1xf32, #tpu.memory_space<smem>>
      memref.store %exp3A, %arg11[%swap3A_120, %swap3A_121] : memref<1x1xf32, #tpu.memory_space<smem>>
    } else {
    }
    return
  }
  func.func @transform_0(%arg0: i32) -> (i32, i32) {
    %c0_i32 = arith.constant 0 : i32
    %c0_i32_0 = arith.constant 0 : i32
    return %arg0, %c0_i32 : i32, i32
  }
  func.func @transform_1(%arg0: i32) -> (i32, i32) {
    %c0_i32 = arith.constant 0 : i32
    %c0_i32_0 = arith.constant 0 : i32
    %c0_i32_1 = arith.constant 0 : i32
    return %c0_i32, %c0_i32_0 : i32, i32
  }
  func.func @transform_2(%arg0: i32) -> (i32, i32) {
    %c0_i32 = arith.constant 0 : i32
    %c0_i32_0 = arith.constant 0 : i32
    %c0_i32_1 = arith.constant 0 : i32
    return %c0_i32, %c0_i32_0 : i32, i32
  }
  func.func @transform_3(%arg0: i32) -> (i32, i32) {
    %c0_i32 = arith.constant 0 : i32
    %c0_i32_0 = arith.constant 0 : i32
    %c0_i32_1 = arith.constant 0 : i32
    return %c0_i32, %c0_i32_0 : i32, i32
  }
  func.func @transform_4(%arg0: i32) -> (i32, i32) {
    %c0_i32 = arith.constant 0 : i32
    %c0_i32_0 = arith.constant 0 : i32
    %c0_i32_1 = arith.constant 0 : i32
    return %c0_i32, %c0_i32_0 : i32, i32
  }
  func.func @transform_5(%arg0: i32) -> (i32, i32) {
    %c0_i32 = arith.constant 0 : i32
    %c0_i32_0 = arith.constant 0 : i32
    %c0_i32_1 = arith.constant 0 : i32
    return %c0_i32, %c0_i32_0 : i32, i32
  }
  func.func @transform_6(%arg0: i32) -> (i32, i32) {
    %c0_i32 = arith.constant 0 : i32
    %c0_i32_0 = arith.constant 0 : i32
    %c0_i32_1 = arith.constant 0 : i32
    return %c0_i32, %c0_i32_0 : i32, i32
  }
  func.func @transform_7(%arg0: i32) -> (i32, i32) {
    %c0_i32 = arith.constant 0 : i32
    %c0_i32_0 = arith.constant 0 : i32
    %c0_i32_1 = arith.constant 0 : i32
    return %c0_i32, %c0_i32_0 : i32, i32
  }
  func.func @transform_8(%arg0: i32) -> (i32, i32, i32) {
    %c0_i32 = arith.constant 0 : i32
    %c0_i32_0 = arith.constant 0 : i32
    %c0_i32_1 = arith.constant 0 : i32
    return %arg0, %c0_i32, %c0_i32_0 : i32, i32, i32
  }
  func.func @transform_9(%arg0: i32) -> (i32, i32) {
    %c0_i32 = arith.constant 0 : i32
    %c0_i32_0 = arith.constant 0 : i32
    %c0_i32_1 = arith.constant 0 : i32
    return %c0_i32, %c0_i32_0 : i32, i32
  }
  func.func @transform_10(%arg0: i32) -> (i32, i32) {
    %c0_i32 = arith.constant 0 : i32
    %c0_i32_0 = arith.constant 0 : i32
    %c0_i32_1 = arith.constant 0 : i32
    return %c0_i32, %c0_i32_0 : i32, i32
  }
}

module attributes {stable_mosaic.version = 14 : i64} {
  func.func @_decode_table_body(%arg0: memref<1024x64xf32, #tpu.memory_space<vmem>>, %arg1: memref<64x1024xf32, #tpu.memory_space<vmem>>, %arg2: memref<1x1024xf32, #tpu.memory_space<vmem>>, %arg3: memref<1024x2048xf32, #tpu.memory_space<vmem>>, %arg4: memref<1x2048xf32, #tpu.memory_space<vmem>>, %arg5: memref<1024x2048xf32, #tpu.memory_space<vmem>>) attributes {dimension_semantics = [], scalar_prefetch = 0 : i64, scratch_operands = 0 : i64, tpu.core_type = #tpu.core_type<tc>} {
    %get3A = arith.constant 0 : index
    %get3A_0 = arith.constant 0 : index
    %get3A_1 = vector.load %arg0[%get3A, %get3A_0] : memref<1024x64xf32, #tpu.memory_space<vmem>>, vector<1024x64xf32>
    %convert_element_type3A = arith.truncf %get3A_1 : vector<1024x64xf32> to vector<1024x64xbf16>
    %get3A_2 = arith.constant 0 : index
    %get3A_3 = arith.constant 0 : index
    %get3A_4 = vector.load %arg1[%get3A_2, %get3A_3] : memref<64x1024xf32, #tpu.memory_space<vmem>>, vector<64x1024xf32>
    %convert_element_type3A_5 = arith.truncf %get3A_4 : vector<64x1024xf32> to vector<64x1024xbf16>
    %dot_general3A = arith.constant dense<0.000000e+00> : vector<1024x1024xf32>
    %dot_general3A_6 = tpu.matmul %convert_element_type3A, %convert_element_type3A_5, %dot_general3A {dimension_numbers = #tpu.dot_dimension_numbers<[1], [0], [0], [1], [0, 0, 1, 1], [], []>, transpose_lhs_hint = false} : vector<1024x64xbf16>, vector<64x1024xbf16>, vector<1024x1024xf32> -> vector<1024x1024xf32>
    %get3A_7 = arith.constant 0 : index
    %get3A_8 = arith.constant 0 : index
    %get3A_9 = vector.load %arg2[%get3A_7, %get3A_8] : memref<1x1024xf32, #tpu.memory_space<vmem>>, vector<1x1024xf32>
    %add3A = vector.broadcast %get3A_9 : vector<1x1024xf32> to vector<1024x1024xf32>
    %add3A_10 = arith.addf %dot_general3A_6, %add3A : vector<1024x1024xf32>
    %max3A = arith.constant 0.000000e+00 : f32
    %max3A_11 = vector.broadcast %max3A : f32 to vector<1024x1024xf32>
    %max3A_12 = arith.maximumf %add3A_10, %max3A_11 : vector<1024x1024xf32>
    %convert_element_type3A_13 = arith.truncf %max3A_12 : vector<1024x1024xf32> to vector<1024x1024xbf16>
    %get3A_14 = arith.constant 0 : index
    %get3A_15 = arith.constant 0 : index
    %get3A_16 = vector.load %arg3[%get3A_14, %get3A_15] : memref<1024x2048xf32, #tpu.memory_space<vmem>>, vector<1024x2048xf32>
    %convert_element_type3A_17 = arith.truncf %get3A_16 : vector<1024x2048xf32> to vector<1024x2048xbf16>
    %dot_general3A_18 = arith.constant dense<0.000000e+00> : vector<1024x2048xf32>
    %dot_general3A_19 = tpu.matmul %convert_element_type3A_13, %convert_element_type3A_17, %dot_general3A_18 {dimension_numbers = #tpu.dot_dimension_numbers<[1], [0], [0], [1], [0, 0, 1, 1], [], []>, transpose_lhs_hint = false} : vector<1024x1024xbf16>, vector<1024x2048xbf16>, vector<1024x2048xf32> -> vector<1024x2048xf32>
    %get3A_20 = arith.constant 0 : index
    %get3A_21 = arith.constant 0 : index
    %get3A_22 = vector.load %arg4[%get3A_20, %get3A_21] : memref<1x2048xf32, #tpu.memory_space<vmem>>, vector<1x2048xf32>
    %add3A_23 = vector.broadcast %get3A_22 : vector<1x2048xf32> to vector<1024x2048xf32>
    %add3A_24 = arith.addf %dot_general3A_19, %add3A_23 : vector<1024x2048xf32>
    %swap3A = arith.constant 0 : index
    %swap3A_25 = arith.constant 0 : index
    %swap3A_26 = vector.load %arg5[%swap3A, %swap3A_25] : memref<1024x2048xf32, #tpu.memory_space<vmem>>, vector<1024x2048xf32>
    tpu.vector_store %arg5[%swap3A, %swap3A_25], %add3A_24 {strides = array<i32>} : memref<1024x2048xf32, #tpu.memory_space<vmem>>, vector<1024x2048xf32>,
    return
  }
}

</mosaic_0001>

<sc_bundles>
// kernel: kernel.5.cloned.1.call-start
scs
__scs_entry_jumppad:
0x0: {  	(pc) =	sbr.rel $0x88, $3  }
0x1: {  	(tag) =	ssettag $0x0;
	lr =	simm.s32 $0x1  }
0x2: {  	[smem:$0x3F95] =	sst lr;
	_ =	strace $0xD0000000  }
0x3: {  	_ = 	snop  }
0x4: {  	_ = 	snop  }
0x5: {  	_ = 	snop  }
0x6: {  	_ = 	snop  }
0x7: {  	_ = 	snop  }
__scs_overlays_trampoline_lowered:
0x8: {  	[smem:$0x3FA4] =	sst s0  }
0x9: {  	[smem:$0x3FA5] =	sst s1  }
0xa: {  	[smem:$0x3FA6] =	sst s2  }
0xb: {  	[smem:$0x3FA7] =	sst s3  }
0xc: {  	[smem:$0x3FA8] =	sst s4  }
0xd: {  	[smem:$0x3FA9] =	sst s5  }
0xe: {  	[smem:$0x3FAA] =	sst s6  }
0xf: {  	[smem:$0x3FAB] =	sst s7  }
0x10: {  	[smem:$0x3FAC] =	sst s8  }
0x11: {  	[smem:$0x3FAD] =	sst s9;
	s0 =	simm.s32 @!p0 $0x0  }
0x12: {  	s1 =	sld [smem:$0x3F93];
	s0 =	simm.s32 @p0 $0x1  }
0x13: {  	[smem:$0x3FAE] =	sst s0;
	s0 =	simm.s32 @!p1 $0x0  }
0x14: {  	s2 =	sld [smem:$0x3F92];
	s0 =	simm.s32 @p1 $0x1  }
0x15: {  	[smem:$0x3FAF] =	sst s0;
	s0 =	simm.s32 @!p2 $0x0  }
0x16: {  	s3 =	sld [smem:$0x3FDB];
	s0 =	simm.s32 @p2 $0x1  }
0x17: {  	s4 =	simm.s32 $0x1BF5;
	[smem:$0x3FB1] =	sst s0  }
0x18: {  	s0 =	sld [smem:$0x3F94];
	_ =	swait.ge [sflag:s4], $0x0  }
0x19: {  	s7 =	sld [smem:$0x3F95]  }
0x1a: {  	s8 =	sadd.s32 $0xFFFFE003, lr  }
0x1b: {  	s9 =	sadd.s32 $0xFFFFFEF7, lr;
	s5 =	simm.s32 $0xFFFFFFFF;
	p2 =	slt.u32 s8, $0xFFFFF086  }
0x1c: {  	p1 =	slt.u32 s9, $0xF7A;
	s5 =	simm.s32 @!p2 $0x0  }
0x1d: {  	s5 =	simm.s32 @p1 $0x1;
	p0 =	seq.s32 s7, s2  }
0x1e: {  	s7 =	smul.u32 @!p0 $0xF7A, s2;
	p2 =	seq.s32 @!p0 s5, $0x0  }
0x1f: {  	s9 =	smul.u32 $0xF7A, s1;
	s8 =	simm.s32 @!p0 $0x1BF5;
	p2 =	por !p2, p0  }
0x20: {  	[sflag:s8] =	ssyncset.s32 @!p0 $0xFFFFF086;
	s6 =	sadd.s32 @!p0 s3, s7;
	s7 =	simm.s32 @!p0 $0x108  }
0x21: {  	s3 =	sadd.s32 s3, s9;
	s6 =	sadd.s32 @!p0 $0x88, s6;
	s7 =	simm.s32 @p2 $0x1082  }
0x22: {  	[simem:s7], [sflag:s8] =	dma.local @!p0 [hbm:s6], $0xF7A  }
0x23: {  	s9 =	sor.u32 $0xD0000000, s2;
	s6 =	simm.s32 $0x108;
	_ =	swait.ge @!p0 [sflag:s8], $0x0  }
0x24: {  	s3 =	sadd.s32 $0x88, s3;
	s6 =	simm.s32 @!p1 $0x1082;
	[sflag:s4] =	ssyncset.s32 $0xFFFFF086  }
0x25: {  	[simem:s6], [sflag:s4] =	dma.local [hbm:s3], $0xF7A  }
0x26: {  	[smem:$0x3F95] =	sst s1;
	(tag) =	ssettag s2;
	_ =	strace s9  }
0x27: {  	s1 =	sld [smem:$0x3FA5]  }
0x28: {  	s2 =	sld [smem:$0x3FA6]  }
0x29: {  	s4 =	sld [smem:$0x3FA8]  }
0x2a: {  	p0 =	seq.s32 s5, $0x0;
	s5 =	sld [smem:$0x3FA9]  }
0x2b: {  	s6 =	sld [smem:$0x3FAA]  }
0x2c: {  	s7 =	sld [smem:$0x3FAB]  }
0x2d: {  	s3 =	simm.s32 $0x108;
	s8 =	sld [smem:$0x3FAC]  }
0x2e: {  	s3 =	simm.s32 @!p0 $0x1082;
	s9 =	sld [smem:$0x3FAD]  }
0x2f: {  	lr =	sadd.s32 s0, s3;
	s0 =	sld [smem:$0x3FA4]  }
0x30: {  	s3 =	sld [smem:$0x3FA7]  }
0x31: {  	[smem:$0x3FB0] =	sst s10  }
0x32: {  	s10 =	sld [smem:$0x3FAE];
	_ =	sdelay $0x3  }
0x33: {  	p0 =	seq.s32 s10, $0x1;
	s10 =	sld [smem:$0x3FB0];
	_ =	sdelay $0x3  }
0x34: {  	[smem:$0x3FB0] =	sst s10  }
0x35: {  	s10 =	sld [smem:$0x3FAF];
	_ =	sdelay $0x3  }
0x36: {  	p1 =	seq.s32 s10, $0x1;
	s10 =	sld [smem:$0x3FB0];
	_ =	sdelay $0x3  }
0x37: {  	[smem:$0x3FB0] =	sst s10  }
0x38: {  	s10 =	sld [smem:$0x3FB1]  }
0x39: {  	_ = 	snop;
	(pc) =	sbr.ind lr, $3  }
0x3a: {  	_ = 	snop  }
0x3b: {  	_ = 	snop  }
0x3c: {  	p2 =	seq.s32 s10, $0x1;
	s10 =	sld [smem:$0x3FB0]  }
0x3d: {  	_ =	shalt  }
0x3e: {  	_ =	shalt  }
0x3f: {  	_ =	shalt  }
0x40: {  	_ =	shalt  }
0x41: {  	_ =	shalt  }
0x42: {  	_ =	shalt  }
0x43: {  	_ =	shalt  }
0x44: {  	_ =	shalt  }
0x45: {  	_ =	shalt  }
0x46: {  	_ =	shalt  }
0x47: {  	_ =	shalt  }
0x48: {  	_ =	shalt  }
0x49: {  	_ =	shalt  }
0x4a: {  	_ =	shalt  }
0x4b: {  	_ =	shalt  }
0x4c: {  	_ =	shalt  }
0x4d: {  	_ =	shalt  }
0x4e: {  	_ =	shalt  }
0x4f: {  	_ =	shalt  }
0x50: {  	_ =	shalt  }
0x51: {  	_ =	shalt  }
0x52: {  	_ =	shalt  }
0x53: {  	_ =	shalt  }
0x54: {  	_ =	shalt  }
0x55: {  	_ =	shalt  }
0x56: {  	_ =	shalt  }
0x57: {  	_ =	shalt  }
0x58: {  	_ =	shalt  }
0x59: {  	_ =	shalt  }
0x5a: {  	_ =	shalt  }
0x5b: {  	_ =	shalt  }
0x5c: {  	_ =	shalt  }
0x5d: {  	_ =	shalt  }
0x5e: {  	_ =	shalt  }
0x5f: {  	_ =	shalt  }
0x60: {  	_ =	shalt  }
0x61: {  	_ =	shalt  }
0x62: {  	_ =	shalt  }
0x63: {  	_ =	shalt  }
0x64: {  	_ =	shalt  }
0x65: {  	_ =	shalt  }
0x66: {  	_ =	shalt  }
0x67: {  	_ =	shalt  }
0x68: {  	_ =	shalt  }
0x69: {  	_ =	shalt  }
0x6a: {  	_ =	shalt  }
0x6b: {  	_ =	shalt  }
0x6c: {  	_ =	shalt  }
0x6d: {  	_ =	shalt  }
0x6e: {  	_ =	shalt  }
0x6f: {  	_ =	shalt  }
0x70: {  	_ =	shalt  }
0x71: {  	_ =	shalt  }
0x72: {  	_ =	shalt  }
0x73: {  	_ =	shalt  }
0x74: {  	_ =	shalt  }
0x75: {  	_ =	shalt  }
0x76: {  	_ =	shalt  }
0x77: {  	_ =	shalt  }
0x78: {  	_ =	shalt  }
0x79: {  	_ =	shalt  }
0x7a: {  	_ =	shalt  }
0x7b: {  	_ =	shalt  }
0x7c: {  	_ =	shalt  }
0x7d: {  	_ =	shalt  }
0x7e: {  	_ =	shalt  }
0x7f: {  	_ =	shalt  }
0x80: {  	_ =	shalt  }
0x81: {  	_ =	shalt  }
0x82: {  	_ =	shalt  }
0x83: {  	_ =	shalt  }
0x84: {  	_ =	shalt  }
0x85: {  	_ =	shalt  }
0x86: {  	_ =	shalt  }
0x87: {  	_ =	shalt  }
.Lfunc_end0:
.L_simem_size_0:
called_computation_lowered:
.L_overlay_start_0:
0x88: {  	s2 =	sld [smem:$0x3FD9]  }
0x89: {  	s3 =	sld [smem:$0x3FFE];
	_ =	sdelay $0x1  }
0x8a: {  	s1 =	srdreg.scid  }
0x8b: {  	s0 =	sand.u32 $0x1, s1  }
0x8c: {  	s14 =	sshll.u32 s0, $0xA;
	s2 =	sadd.s32 s3, s2  }
0x8d: {  	s2 =	sadd.s32 s2, s14  }
0x8e: {  	[smem:$0x3FBC] =	sst s2  }
0x8f: {  	_ = 	snop  }
0x90: {  	s2 =	sld [smem:$0x3FD0];
	_ =	sdelay $0x2  }
0x91: {  	s15 =	simm.s32 $0xA;
	s4 =	simm.s32 $0x10  }
0x92: {  	[smem:s4], [sflag:s15] =	dma.local [hbm:s2], $0x1  }
0x93: {  	_ =	swait.eq [sflag:s15], $0x1  }
0x94: {  	[sflag:s15] =	ssyncset.done $0x0  }
0x95: {  	[sflag:s15] =	ssyncadd.s32 $0xFFFFFFFF  }
0x96: {  	s16 =	sld [smem:$0x10];
	(tm) =	ssettm $0x1  }
0x97: {  	s17 =	sld [smem:$0x3FFB];
	_ =	sdelay $0x3  }
0x98: {  	_ =	strace s17  }
0x99: {  	s3 =	sld [smem:$0x3FFC];
	_ =	sdelay $0x3  }
0x9a: {  	_ =	strace s3  }
0x9b: {  	s3 =	sld [smem:$0x3FFD];
	_ =	sdelay $0x3  }
0x9c: {  	_ =	strace s3  }
0x9d: {  	_ =	strace $0x8FFFFFFF  }
0x9e: {  	s18 =	sld [smem:$0x3FDB];
	_ =	sdelay $0x1  }
0x9f: {  	s19 =	simm.s32 $_scs_section_size  }
0xa0: {  	s5 =	simm.s32 $_size__tile_overlayer_lowered;
	s6 =	simm.s32 $_tile_overlayer_lowered  }
0xa1: {  	s22 =	simm.s32 $0x1BFF;
	s21 =	sshll.u32 s6, $0x1;
	s3 =	sadd.s32 s19, s18  }
0xa2: {  	s7 =	simm.s32 $0x0;
	s20 =	sshll.u32 s5, $0x1;
	s5 =	sadd.s32 s21, s3  }
0xa3: {  	[timem:s7], [sflag:s22] =	dma.local [hbm:s5], s20  }
0xa4: {  	_ =	swait.ge [sflag:s22], s20  }
0xa5: {  	s4 =	ssub.s32 $0x0, s20;
	[sflag:s22] =	ssyncset.done $0x0  }
0xa6: {  	[sflag:s22] =	ssyncadd.s32 s4;
	_ =	sdelay $0x1  }
0xa7: {  	s23 =	simm.s32 $0x1B8B  }
0xa8: {  	_ =	swait.ge [sflag:s23], $0x1  }
0xa9: {  	[sflag:s23] =	ssyncset.done $0x0  }
0xaa: {  	s25 =	simm.s32 $0x1B8E;
	s24 =	sld [smem:$0x3FFE];
	[sflag:s23] =	ssyncadd.s32 $0xFFFFFFFF  }
0xab: {  	s26 =	simm.s32 $execute0_lowered;
	[smem:$0x3FD2] =	sst s25  }
0xac: {  	s5 =	sshll.u32 s26, $0x1;
	_ =	strace $0x80000046;
	[dreg:$0x1] =	wrdreg $0xFFFFFFFF  }
0xad: {  	s28 =	simm.s32 $_size_execute0_lowered;
	s3 =	sadd.s32 s3, s5;
	[dreg:$0x0] =	wrdreg $0x0  }
0xae: {  	s5 =	sshll.u32 s28, $0x1;
	[dreg:$0x2] =	wrdreg s3  }
0xaf: {  	[dreg:$0x3] =	wrdreg s5  }
0xb0: {  	[dreg:$0x4] =	wrdreg $0xC0  }
0xb1: {  	_ =	task [dreg:s7], $0x5FFFF  }
0xb2: {  	[dreg:$0x1] =	wrdreg $0xFFFFFFFF  }
0xb3: {  	[dreg:$0x0] =	wrdreg $0x60  }
0xb4: {  	[dreg:$0x2] =	wrdreg s24  }
0xb5: {  	[dreg:$0x3] =	wrdreg s16  }
0xb6: {  	[dreg:$0x4] =	wrdreg $0x9  }
0xb7: {  	_ =	task.clear_ibuf [dreg:s7], $0x5FFFF;
	_ =	strace $0x90000046  }
0xb8: {  	s29 =	simm.s32 $0x9;
	_ =	strace $0x80000048  }
0xb9: {  	_ =	swait.ge [sflag:s29], $0x1  }
0xba: {  	[sflag:s29] =	ssyncadd.s32 $0xFFFFFFFF  }
0xbb: {  	_ =	strace $0x90000048  }
0xbc: {  	_ =	sfence  }
0xbd: {  	s30 =	sld [smem:$0x0];
	_ =	sdelay $0x2  }
0xbe: {  	s31 =	sshll.u32 s1, $0xD;
	s1 =	sshrl.u32 s1, $0x2  }
0xbf: {  	s3 =	sand.u32 $0x4000, s31;
	s1 =	sadd.s32 s1, s30  }
0xc0: {  	s0 =	sor.u32 s3, s0;
	s1 =	sshll.u32 s1, $0x11  }
0xc1: {  	s0 =	sor.u32 s1, s0  }
0xc2: {  	s0 =	sadd.s32 $0x8F2B, s0  }
0xc3: {  	[sflag:s0] =	ssyncadd.remote.s32 $0x1  }
0xc4: {  	_ =	sfence.sel $0xFFFF  }
0xc5: {  	[dreg:$0x0] =	wrdreg $0xFFFFFFFF;
	(pc) =	sbr.abs _section_cstart, $3  }
0xc6: {  	[dreg:$0x1] =	wrdreg $0xFFFFFFFF  }
0xc7: {  	_ =	task.clear_ibuf [dreg:s7], $0x2FFFF;
	_ =	strace $0x9FFFFFFF  }
0xc8: {  	(tm) =	ssettm $0x7FFFFFFF  }
0xc9: {  	_ =	shalt  }
tec
execute0_lowered:
.L_overlay_start_1:
0x0: {  	(tag) =	ssettag $0x1  }
0x1: {  	s0 =	srdreg.scid;
	s1 =	rddreg [dreg:$0x0]  }
0x2: {  	s14 =	stileid.u32;
	s12 =	rddreg [dreg:$0x1]  }
0x3: {  	s13 =	simm.s32 $0x880;
	s15 =	simm.s32 $0x1080;
	s0 =	sand.u32 $0x1, s0  }
0x4: {  	s16 =	simm.s32 $0x1880;
	s2 =	sshll.u32 s14, $0x9;
	s3 =	sshll.u32 s0, $0x8  }
0x5: {  	s17 =	simm.s32 $0x2080;
	s3 =	sor.u32 s3, s2;
	s2 =	simm.s32 $0x0  }
0x6: {  	s18 =	simm.s32 $0x2880;
	s7 =	simm.s32 $0x3080;
	[smem:$0x7FF] =	sst s2  }
0x7: {  	s8 =	simm.s32 $0x3880;
	_ =	strace $0x80000047;
	[dreg:$0x4] =	wrdreg s13  }
0x8: {  	s9 =	simm.s32 $0x4080;
	s10 =	simm.s32 $0x4880;
	[dreg:$0x5] =	wrdreg s15  }
0x9: {  	s19 =	simm.s32 $0x5880;
	s20 =	simm.s32 $0x6080;
	[dreg:$0x6] =	wrdreg s16  }
0xa: {  	s22 =	simm.s32 $0x6880;
	s23 =	simm.s32 $0x7080;
	[dreg:$0x7] =	wrdreg s17  }
0xb: {  	s24 =	simm.s32 $0x7880;
	s25 =	simm.s32 $0x8080;
	[dreg:$0x8] =	wrdreg s18  }
0xc: {  	s26 =	simm.s32 $0x8880;
	s28 =	simm.s32 $0xF080;
	[dreg:$0x9] =	wrdreg s7  }
0xd: {  	s29 =	simm.s32 $0xF880;
	s30 =	simm.s32 $0x1;
	[dreg:$0xa] =	wrdreg s8  }
0xe: {  	s31 =	simm.s32 $0x0;
	s21 =	sshll.u32 s14, $0x11;
	[dreg:$0xb] =	wrdreg s9  }
0xf: {  	s14 =	simm.s32 $0x80;
	s5 =	ssub.s32 $0x2, s0;
	[dreg:$0xc] =	wrdreg s10  }
0x10: {  	s12 =	sadd.s32 s21, s12;
	s0 =	sshll.u32 s0, $0x10;
	[dreg:$0xe] =	wrdreg s19  }
0x11: {  	s21 =	simm.s32 $0xC080;
	s6 =	sshrl.u32 s5, $0x1;
	[dreg:$0xf] =	wrdreg s20  }
0x12: {  	s0 =	sadd.s32 s0, s12;
	s3 =	sshrl.u32 s3, $0x3;
	[dreg:$0x10] =	wrdreg s22  }
0x13: {  	s11 =	ssub.s32 s5, s6;
	s5 =	sadd.s32 $0x2400, s1;
	[dreg:$0x11] =	wrdreg s23  }
0x14: {  	s6 =	sadd.s32 $0x2500, s1;
	s3 =	sadd.s32 s3, s1;
	[dreg:$0x16] =	wrdreg s0  }
0x15: {  	s7 =	sadd.s32 $0x2600, s1;
	s8 =	sadd.s32 $0x2700, s1;
	[dreg:$0x12] =	wrdreg s24  }
0x16: {  	s9 =	sadd.s32 $0x2800, s1;
	s13 =	simm.s32 $0x5080;
	[dreg:$0x13] =	wrdreg s25  }
0x17: {  	s10 =	sadd.s32 $0x2900, s1;
	s11 =	smax.u32 s11, $0x1;
	[dreg:$0x14] =	wrdreg s26  }
0x18: {  	s15 =	simm.s32 $0x9080;
	s16 =	simm.s32 $0x9880;
	s17 =	simm.s32 $0xA080  }
0x19: {  	s18 =	simm.s32 $0xA880;
	s19 =	simm.s32 $0xB080;
	s20 =	simm.s32 $0xB880  }
0x1a: {  	s22 =	simm.s32 $0xC880;
	s23 =	simm.s32 $0xD080;
	s24 =	simm.s32 $0xD880  }
0x1b: {  	v2 =	vlaneseq.u32;
	s25 =	simm.s32 $0xE080;
	s26 =	simm.s32 $0xE880;
	[dreg:$0xd] =	wrdreg s13  }
0x1c: {  	vm0 =	vmmov $0xffff;
	v1 =	vshrl.u32 v2, $0x3;
	s4 =	sadd.s32 $0x42200, s3;
	s3 =	sadd.s32 $0x2200, s1;
	[dreg:$0x15] =	wrdreg s11  }
0x1d: {  	v0 =	vand.u32 $0x7, v2;
	v2 =	vor.u32 $0x8, v2;
	v1 =	vmul.u32 $0x8, v1;
	s13 =	simm.s32 $0x2;
	[dreg:$0x3] =	wrdreg s4;
	s4 =	sadd.s32 $0x2300, s1  }
.LBB2_1:
0x1e: {  	s12 =	rddreg [dreg:$0x16];
	s0 =	simm.s32 $0x0  }
.LBB2_2:
0x1f: {  	s11 =	rddreg [dreg:$0x3]  }
0x20: {  	s11 =	sadd.s32 s0, s11  }
0x21: {  	[tilespmem:s2], [sflag:$0x2] =	stream.linear.gather [hbm4b:s11+s2], $0x20, $0x38;
	[tilespmem:$0x10080] =	vst v63  }
0x22: {  	_ =	swait.ge [sflag:s13], $0x20  }
0x23: {  	[sflag:s13] =	ssyncset.done $0x0  }
0x24: {  	[sflag:s13] =	ssyncadd.s32 $0xFFFFFFE0  }
0x25: {  	v3 =	vld [tilespmem:$0x0];
	_ =	sdelay $0x4  }
0x26: {  	v4 =	vshll.u32 v3, $0x4  }
0x27: {  	v3 =	vand.u32 $0x7, v3;
	v4 =	vand.u32 $0xFFFFFF80, v4  }
0x28: {  	v3 =	vor.u32 v3, v4  }
0x29: {  	v4 =	vperm.xlane v3, v0;
	_ =	sdelay $0x1  }
0x2a: {  	v4 =	vadd.s32 v1, v4;
	_ =	sdelay $0x4  }
0x2b: {  	[tilespmem:s14], [sflag:$0x1] =	stream.indirect_vreg.gather [hbm4b:s3+s2], $0x80, v4, vm0, $0xb8;
	[tilespmem:$0x10080] =	vst v63  }
0x2c: {  	s11 =	rddreg [dreg:$0x4]  }
0x2d: {  	[tilespmem:s11], [sflag:$0x1] =	stream.indirect_vreg.gather [hbm4b:s4+s2], $0x80, v4, vm0, $0xb8;
	[tilespmem:$0x10080] =	vst v63  }
0x2e: {  	s1 =	rddreg [dreg:$0x5]  }
0x2f: {  	[tilespmem:s1], [sflag:$0x1] =	stream.indirect_vreg.gather [hbm4b:s5+s2], $0x80, v4, vm0, $0xb8;
	[tilespmem:$0x10080] =	vst v63  }
0x30: {  	s11 =	rddreg [dreg:$0x6]  }
0x31: {  	[tilespmem:s11], [sflag:$0x1] =	stream.indirect_vreg.gather [hbm4b:s6+s2], $0x80, v4, vm0, $0xb8;
	[tilespmem:$0x10080] =	vst v63  }
0x32: {  	s1 =	rddreg [dreg:$0x7]  }
0x33: {  	[tilespmem:s1], [sflag:$0x1] =	stream.indirect_vreg.gather [hbm4b:s7+s2], $0x80, v4, vm0, $0xb8;
	[tilespmem:$0x10080] =	vst v63  }
0x34: {  	v3 =	vperm.xlane v3, v2;
	s11 =	rddreg [dreg:$0x8]  }
0x35: {  	[tilespmem:s11], [sflag:$0x1] =	stream.indirect_vreg.gather [hbm4b:s8+s2], $0x80, v4, vm0, $0xb8;
	[tilespmem:$0x10080] =	vst v63  }
0x36: {  	v3 =	vadd.s32 v1, v3;
	s1 =	rddreg [dreg:$0x9]  }
0x37: {  	[tilespmem:s1], [sflag:$0x1] =	stream.indirect_vreg.gather [hbm4b:s9+s2], $0x80, v4, vm0, $0xb8;
	[tilespmem:$0x10080] =	vst v63  }
0x38: {  	s11 =	rddreg [dreg:$0xa]  }
0x39: {  	[tilespmem:s11], [sflag:$0x1] =	stream.indirect_vreg.gather [hbm4b:s10+s2], $0x80, v4, vm0, $0xb8;
	[tilespmem:$0x10080] =	vst v63  }
0x3a: {  	s1 =	rddreg [dreg:$0xb]  }
0x3b: {  	[tilespmem:s1], [sflag:$0x1] =	stream.indirect_vreg.gather [hbm4b:s3+s2], $0x80, v3, vm0, $0xb8;
	[tilespmem:$0x10080] =	vst v63  }
0x3c: {  	s11 =	rddreg [dreg:$0xc]  }
0x3d: {  	[tilespmem:s11], [sflag:$0x1] =	stream.indirect_vreg.gather [hbm4b:s4+s2], $0x80, v3, vm0, $0xb8;
	[tilespmem:$0x10080] =	vst v63  }
0x3e: {  	s1 =	rddreg [dreg:$0xd]  }
0x3f: {  	[tilespmem:s1], [sflag:$0x1] =	stream.indirect_vreg.gather [hbm4b:s5+s2], $0x80, v3, vm0, $0xb8;
	[tilespmem:$0x10080] =	vst v63  }
0x40: {  	s11 =	rddreg [dreg:$0xe]  }
0x41: {  	[tilespmem:s11], [sflag:$0x1] =	stream.indirect_vreg.gather [hbm4b:s6+s2], $0x80, v3, vm0, $0xb8;
	[tilespmem:$0x10080] =	vst v63  }
0x42: {  	s1 =	rddreg [dreg:$0xf]  }
0x43: {  	[tilespmem:s1], [sflag:$0x1] =	stream.indirect_vreg.gather [hbm4b:s7+s2], $0x80, v3, vm0, $0xb8;
	[tilespmem:$0x10080] =	vst v63  }
0x44: {  	s11 =	rddreg [dreg:$0x10]  }
0x45: {  	[tilespmem:s11], [sflag:$0x1] =	stream.indirect_vreg.gather [hbm4b:s8+s2], $0x80, v3, vm0, $0xb8;
	[tilespmem:$0x10080] =	vst v63  }
0x46: {  	s1 =	rddreg [dreg:$0x11]  }
0x47: {  	[tilespmem:s1], [sflag:$0x1] =	stream.indirect_vreg.gather [hbm4b:s9+s2], $0x80, v3, vm0, $0xb8;
	[tilespmem:$0x10080] =	vst v63  }
0x48: {  	s11 =	rddreg [dreg:$0x12]  }
0x49: {  	[tilespmem:s11], [sflag:$0x1] =	stream.indirect_vreg.gather [hbm4b:s10+s2], $0x80, v3, vm0, $0xb8;
	[tilespmem:$0x10080] =	vst v63  }
0x4a: {  	v3 =	vld [tilespmem:$0x10];
	_ =	sdelay $0x4  }
0x4b: {  	v63 =	vshll.u32 v3, $0x4  }
0x4c: {  	v3 =	vand.u32 $0x7, v3;
	v4 =	vand.u32 $0xFFFFFF80, v63  }
0x4d: {  	v3 =	vor.u32 v3, v4  }
0x4e: {  	v4 =	vperm.xlane v3, v0;
	_ =	sdelay $0x1  }
0x4f: {  	v4 =	vadd.s32 v1, v4;
	_ =	sdelay $0x3  }
0x50: {  	s1 =	rddreg [dreg:$0x13]  }
0x51: {  	[tilespmem:s1], [sflag:$0x1] =	stream.indirect_vreg.gather [hbm4b:s3+s2], $0x80, v4, vm0, $0xb8;
	[tilespmem:$0x10080] =	vst v63  }
0x52: {  	s11 =	rddreg [dreg:$0x14]  }
0x53: {  	[tilespmem:s11], [sflag:$0x1] =	stream.indirect_vreg.gather [hbm4b:s4+s2], $0x80, v4, vm0, $0xb8;
	[tilespmem:$0x10080] =	vst v63  }
0x54: {  	_ = 	snop  }
0x55: {  	[tilespmem:s15], [sflag:$0x1] =	stream.indirect_vreg.gather [hbm4b:s5+s2], $0x80, v4, vm0, $0xb8;
	[tilespmem:$0x10080] =	vst v63  }
0x56: {  	_ = 	snop  }
0x57: {  	[tilespmem:s16], [sflag:$0x1] =	stream.indirect_vreg.gather [hbm4b:s6+s2], $0x80, v4, vm0, $0xb8;
	[tilespmem:$0x10080] =	vst v63  }
0x58: {  	_ = 	snop  }
0x59: {  	[tilespmem:s17], [sflag:$0x1] =	stream.indirect_vreg.gather [hbm4b:s7+s2], $0x80, v4, vm0, $0xb8;
	[tilespmem:$0x10080] =	vst v63  }
0x5a: {  	v3 =	vperm.xlane v3, v2  }
0x5b: {  	[tilespmem:s18], [sflag:$0x1] =	stream.indirect_vreg.gather [hbm4b:s8+s2], $0x80, v4, vm0, $0xb8;
	[tilespmem:$0x10080] =	vst v63  }
0x5c: {  	v3 =	vadd.s32 v1, v3  }
0x5d: {  	[tilespmem:s19], [sflag:$0x1] =	stream.indirect_vreg.gather [hbm4b:s9+s2], $0x80, v4, vm0, $0xb8;
	[tilespmem:$0x10080] =	vst v63  }
0x5e: {  	_ = 	snop  }
0x5f: {  	[tilespmem:s20], [sflag:$0x1] =	stream.indirect_vreg.gather [hbm4b:s10+s2], $0x80, v4, vm0, $0xb8;
	[tilespmem:$0x10080] =	vst v63  }
0x60: {  	_ = 	snop  }
0x61: {  	[tilespmem:s21], [sflag:$0x1] =	stream.indirect_vreg.gather [hbm4b:s3+s2], $0x80, v3, vm0, $0xb8;
	[tilespmem:$0x10080] =	vst v63  }
0x62: {  	_ = 	snop  }
0x63: {  	[tilespmem:s22], [sflag:$0x1] =	stream.indirect_vreg.gather [hbm4b:s4+s2], $0x80, v3, vm0, $0xb8;
	[tilespmem:$0x10080] =	vst v63  }
0x64: {  	_ = 	snop  }
0x65: {  	[tilespmem:s23], [sflag:$0x1] =	stream.indirect_vreg.gather [hbm4b:s5+s2], $0x80, v3, vm0, $0xb8;
	[tilespmem:$0x10080] =	vst v63  }
0x66: {  	_ = 	snop  }
0x67: {  	[tilespmem:s24], [sflag:$0x1] =	stream.indirect_vreg.gather [hbm4b:s6+s2], $0x80, v3, vm0, $0xb8;
	[tilespmem:$0x10080] =	vst v63  }
0x68: {  	_ = 	snop  }
0x69: {  	[tilespmem:s25], [sflag:$0x1] =	stream.indirect_vreg.gather [hbm4b:s7+s2], $0x80, v3, vm0, $0xb8;
	[tilespmem:$0x10080] =	vst v63  }
0x6a: {  	_ = 	snop  }
0x6b: {  	[tilespmem:s26], [sflag:$0x1] =	stream.indirect_vreg.gather [hbm4b:s8+s2], $0x80, v3, vm0, $0xb8;
	[tilespmem:$0x10080] =	vst v63  }
0x6c: {  	_ = 	snop  }
0x6d: {  	[tilespmem:s28], [sflag:$0x1] =	stream.indirect_vreg.gather [hbm4b:s9+s2], $0x80, v3, vm0, $0xb8;
	[tilespmem:$0x10080] =	vst v63  }
0x6e: {  	_ = 	snop  }
0x6f: {  	[tilespmem:s29], [sflag:$0x1] =	stream.indirect_vreg.gather [hbm4b:s10+s2], $0x80, v3, vm0, $0xb8;
	[tilespmem:$0x10080] =	vst v63  }
0x70: {  	_ =	swait.ge [sflag:s30], $0x10000  }
0x71: {  	p0 =	sne.s32 s0, $0x1C;
	[sflag:s30] =	ssyncset.done $0x0  }
.Ltmp0:
0x72: {  	[sflag:s30] =	ssyncadd.s32 $0xFFFF0000;
	(pc) =	sbr.rel @p0 .LBB2_2-.Ltmp0, $4  }
0x73: {  	[hbm4b:s12+s2] =	stream.linear.scatter [tilespmem:s14], [sflag:$0x2], $0x10000, $0x38;
	[tilespmem:$0x10080] =	vst v63  }
0x74: {  	_ =	swait.ge [sflag:s13], $0x10000  }
0x75: {  	[sflag:s13] =	ssyncset.done $0x0  }
0x76: {  	s0 =	sadd.s32 $0x4, s0;
	s12 =	sadd.s32 $0x2000, s12;
	[sflag:s13] =	ssyncadd.s32 $0xFFFF0000  }
0x77: {  	s31 =	sadd.s32 $0x1, s31;
	s0 =	rddreg [dreg:$0x15]  }
0x78: {  	p0 =	sne.s32 s31, s0  }
.Ltmp1:
0x79: {  	_ = 	snop;
	(pc) =	sbr.rel @p0 .LBB2_1-.Ltmp1, $1  }
0x7a: {  	_ =	sdelay $0x3  }
0x7b: {  	_ =	sfence.sel $0x180000  }
0x7c: {  	[bflag:$0x0] =	sbarrier.arrive $0xFFFF  }
0x7d: {  	_ =	strace $0x90000047  }
0x7e: {  	s0 =	stileid.u32;
	[bflag:$0x2] =	sbarrier.arrive $0xFFFF  }
0x7f: {  	p0 =	sne.s32 s0, $0x0;
	s0 =	rddreg [dreg:$0x2]  }
0x80: {  	s0 =	sadd.s32 @!p0 $0x100000, s0  }
0x81: {  	[sflag:s0] =	ssyncadd.tile.s32 @!p0 $0x1;
	_ =	shalt  }
.Lfunc_end2:
_tile_overlayer_lowered:
.L_overlay_start_2:
0x82: {  	(tag) =	ssettag $0x2  }
0x83: {  	s0 =	rddreg [dreg:$0x0];
	s2 =	stileid.u32  }
0x84: {  	s1 =	rddreg [dreg:$0x1];
	p0 =	sne.s32 s2, $0x0  }
0x85: {  	s3 =	rddreg [dreg:$0x2];
	[bflag:$0x3] =	sbarrier.arrive $0xFFFF;
	s2 =	simm.s32 @!p0 $0x1C02  }
0x86: {  	[timem:s3], [sflag:s2] =	dma.local @!p0 [hbm:s0], s1  }
0x87: {  	s0 =	simm.s32 @!p0 $0x2  }
0x88: {  	_ =	swait.ge @!p0 [sflag:s0], s1  }
0x89: {  	s1 =	ssub.s32 @!p0 $0x0, s1;
	[sflag:s0] =	ssyncset.done @!p0 $0x0  }
0x8a: {  	[sflag:s0] =	ssyncadd.s32 @!p0 s1  }
0x8b: {  	[bflag:$0x3] =	sbarrier.arrive $0xFFFF  }
0x8c: {  	_ =	shalt  }

</sc_bundles>
